<compile_context>
chip_gen: v7x
topology: tpu7x:2x2x1
jax: 0.10.2.dev20260603
libtpu: 0.0.44.dev20260713+nightly
codegen_flags: <defaults>
</compile_context>

<pallas_src>
import functools

import jax
import jax.numpy as jnp
from jax import lax
from jax.experimental import pallas as pl
from jax.experimental.pallas import tpu as pltpu
from jax.experimental.pallas import tpu_sc as plsc

B = 4096
D_IN = 512
D_HID = 1024
D_OUT = 128

BR = 1024
BA = 512
NB_E = B // BR
NB_A = B // BA

_PREC = lax.Precision.DEFAULT


def _tc_body(xa_ref, xp_ref, w1_ref, b1_ref, w2_ref, b2_ref,
             a_out, p_out, idx_out, a_s, pm2_s, pn_s):
    k = pl.program_id(0)

    @pl.when(k < NB_E)
    def _encode():
        w1 = w1_ref[...]
        b1 = b1_ref[...]
        w2 = w2_ref[...]
        b2 = b2_ref[...]
        base = k * BR
        for x_ref, o_ref, is_p in ((xa_ref, a_out, False), (xp_ref, p_out, True)):
            h = jnp.maximum(jnp.dot(x_ref[...], w1, precision=_PREC,
                                    preferred_element_type=jnp.float32) + b1, 0.0)
            o = jnp.dot(h, w2, precision=_PREC,
                        preferred_element_type=jnp.float32) + b2
            o_ref[...] = o
            if is_p:
                pm2_s[pl.ds(base, BR), :] = o * (-2.0)
                pn_s[:, pl.ds(base, BR)] = jnp.sum(o * o, axis=1)[None, :]
            else:
                a_s[pl.ds(base, BR), :] = o

    @pl.when(k >= NB_E)
    def _argmin():
        i = k - NB_E
        a = a_s[pl.ds(i * BA, BA), :]
        an = jnp.sum(a * a, axis=1, keepdims=True)
        ap2 = lax.dot_general(a, pm2_s[...], (((1,), (1,)), ((), ())),
                              precision=_PREC, preferred_element_type=jnp.float32)
        base = (an + pn_s[...]) + ap2
        eye20 = jnp.where(
            lax.broadcasted_iota(jnp.int32, (BA, BA), 0)
            == lax.broadcasted_iota(jnp.int32, (BA, BA), 1),
            jnp.float32(1e20), jnp.float32(0.0))
        chunks = []
        for c in range(B // BA):
            ch = lax.slice_in_dim(base, c * BA, (c + 1) * BA, axis=1)
            chunks.append(jnp.where(i == c, ch + eye20, ch))
        dist = jnp.concatenate(chunks, axis=1)
        idx_out[0, 0, :] = jnp.argmin(dist, axis=1).astype(jnp.int32)


def _tc_encode_argmin(anchor, pos, W1, b1, W2, b2):
    return pl.pallas_call(
        _tc_body,
        grid=(NB_E + NB_A,),
        in_specs=[
            pl.BlockSpec((BR, D_IN), lambda k: (jnp.minimum(k, NB_E - 1), 0)),
            pl.BlockSpec((BR, D_IN), lambda k: (jnp.minimum(k, NB_E - 1), 0)),
            pl.BlockSpec((D_IN, D_HID), lambda k: (0, 0)),
            pl.BlockSpec((1, D_HID), lambda k: (0, 0)),
            pl.BlockSpec((D_HID, D_OUT), lambda k: (0, 0)),
            pl.BlockSpec((1, D_OUT), lambda k: (0, 0)),
        ],
        out_specs=[
            pl.BlockSpec((BR, D_OUT), lambda k: (jnp.minimum(k, NB_E - 1), 0)),
            pl.BlockSpec((BR, D_OUT), lambda k: (jnp.minimum(k, NB_E - 1), 0)),
            pl.BlockSpec((1, 1, BA), lambda k: (jnp.maximum(k - NB_E, 0), 0, 0)),
        ],
        out_shape=[
            jax.ShapeDtypeStruct((B, D_OUT), jnp.float32),
            jax.ShapeDtypeStruct((B, D_OUT), jnp.float32),
            jax.ShapeDtypeStruct((NB_A, 1, BA), jnp.int32),
        ],
        scratch_shapes=[
            pltpu.VMEM((B, D_OUT), jnp.float32),
            pltpu.VMEM((B, D_OUT), jnp.float32),
            pltpu.VMEM((1, B), jnp.float32),
        ],
    )(anchor, pos, W1, b1.reshape(1, D_HID), W2, b2.reshape(1, D_OUT))


def _sc_finalize(a, p, idx):
    info = plsc.get_sparse_core_info()
    nc, ns = info.num_cores, info.num_subcores
    nw = nc * ns
    bw = B // nw
    mesh = plsc.VectorSubcoreMesh(core_axis_name="c", subcore_axis_name="s")

    @functools.partial(
        pl.kernel,
        mesh=mesh,
        out_type=jax.ShapeDtypeStruct((B, 3 * D_OUT), jnp.float32),
        scratch_types=[
            pltpu.VMEM((bw,), jnp.int32),
            pltpu.VMEM((bw, 3 * D_OUT), jnp.float32),
            pltpu.SemaphoreType.DMA,
            pltpu.SemaphoreType.DMA,
            pltpu.SemaphoreType.DMA,
            pltpu.SemaphoreType.DMA,
        ],
    )
    def finalize_k(a_hbm, p_hbm, idx_hbm, out_hbm, idx_v, tile_v,
                   sem_i, sem_a, sem_p, sem_g):
        wid = lax.axis_index("s") * nc + lax.axis_index("c")
        base = wid * bw
        ci = pltpu.async_copy(idx_hbm.at[pl.ds(base, bw)], idx_v, sem_i)
        ca = pltpu.async_copy(a_hbm.at[pl.ds(base, bw)],
                              tile_v.at[:, pl.ds(0, D_OUT)], sem_a)
        cp = pltpu.async_copy(p_hbm.at[pl.ds(base, bw)],
                              tile_v.at[:, pl.ds(D_OUT, D_OUT)], sem_p)
        ci.wait()
        cg = pltpu.async_copy(p_hbm.at[idx_v],
                              tile_v.at[:, pl.ds(2 * D_OUT, D_OUT)], sem_g)
        ca.wait()
        cp.wait()
        cg.wait()
        pltpu.sync_copy(tile_v, out_hbm.at[pl.ds(base, bw)])

    return finalize_k(a, p, idx)


def kernel(anchor, pos, W1, b1, W2, b2):
    a, p, idx = _tc_encode_argmin(anchor, pos, W1, b1, W2, b2)
    return _sc_finalize(a, p, idx.reshape(B))

# --- scband reference (transcript-rebuilt; emitter-appended) ---
"""Pipeline reference for scband-siamese-triplet-model-12919261626481 (READ-ONLY COPY).

The authoritative reference and input builder live on the scoring server;
editing this copy changes nothing except your own understanding.
"""

import jax, jax.numpy as jnp
import numpy as np

B = 4096
D_IN = 512
D_HID = 1024
D_OUT = 128


def setup_inputs(seed: int = 0) -> dict:
    key = jax.random.key(seed)
    ks = jax.random.split(key, 6)
    anchor = jax.random.normal(ks[0], (B, D_IN), dtype=jnp.float32)
    pos = jax.random.normal(ks[1], (B, D_IN), dtype=jnp.float32)
    W1 = jax.random.normal(ks[2], (D_IN, D_HID), dtype=jnp.float32) * (1.0 / np.sqrt(D_IN))
    b1 = jnp.zeros((D_HID,), dtype=jnp.float32)
    W2 = jax.random.normal(ks[3], (D_HID, D_OUT), dtype=jnp.float32) * (1.0 / np.sqrt(D_HID))
    b2 = jnp.zeros((D_OUT,), dtype=jnp.float32)
    return {"anchor": anchor, "pos": pos, "W1": W1, "b1": b1, "W2": W2, "b2": b2}


def _encode(x, W1, b1, W2, b2):
    h = jnp.maximum(x @ W1 + b1, 0.0)
    return h @ W2 + b2


def reference(anchor, pos, W1, b1, W2, b2):
    a = _encode(anchor, W1, b1, W2, b2)
    p = _encode(pos, W1, b1, W2, b2)
    batch_size = a.shape[0]
    # Pairwise squared euclidean distances between every anchor and every pos.
    # Mathematically identical to the tiled (a[:,None,:]-p[None,:,:])**2 sum in the
    # original TF code, but avoids materializing the [B, B, D] intermediate.
    an = jnp.sum(a * a, axis=-1)
    pn = jnp.sum(p * p, axis=-1)
    dist = an[:, None] + pn[None, :] - 2.0 * (a @ p.T)
    mask = jnp.eye(batch_size, dtype=dist.dtype) * 1e20
    mask_dist = mask + dist
    indices = jnp.argmin(mask_dist, axis=-1)
    indices = jax.lax.stop_gradient(indices)
    neg = jnp.take(p, indices, axis=0)
    concat_val = jnp.concatenate([a, p, neg], axis=-1)
    return concat_val

if __name__ == "__main__":
    import jax
    _d = setup_inputs()
    print(jax.jit(kernel)(*tuple(_d.values())))

</pallas_src>

<mosaic_0001>
#map = affine_map<(d0, d1) -> (0, 0)>
#map1 = affine_map<(d0, d1) -> (0)>
module attributes {stable_mosaic.version = 14 : i64} {
  func.func @finalize_k(%arg0: i32, %arg1: i32, %arg2: memref<4096x128xf32, #tpu.memory_space<hbm>>, %arg3: memref<4096x128xf32, #tpu.memory_space<hbm>>, %arg4: memref<4096xi32, #tpu.memory_space<hbm>>, %arg5: memref<4096x384xf32, #tpu.memory_space<hbm>>, %arg6: memref<128xi32, #tpu.memory_space<vmem>>, %arg7: memref<128x384xf32, #tpu.memory_space<vmem>>, %arg8: memref<!tpu.dma_semaphore, #tpu.memory_space<semaphore_mem>>, %arg9: memref<!tpu.dma_semaphore, #tpu.memory_space<semaphore_mem>>, %arg10: memref<!tpu.dma_semaphore, #tpu.memory_space<semaphore_mem>>, %arg11: memref<!tpu.dma_semaphore, #tpu.memory_space<semaphore_mem>>) attributes {dimension_semantics = [#tpu.dimension_semantics<core_parallel>, #tpu.dimension_semantics<subcore_parallel>], iteration_bounds = array<i64: 2, 16>, scalar_prefetch = 0 : i64, scratch_operands = 6 : i64, tpu.core_type = #tpu.core_type<sc_vector_subcore>, window_params = [{transform_indices = #map}, {transform_indices = #map}, {transform_indices = #map1}, {transform_indices = #map}]} {
    %mul3A = arith.constant 2 : i32
    %mul3A_0 = arith.muli %arg1, %mul3A : i32
    %add3A = arith.addi %mul3A_0, %arg0 : i32
    %mul3A_1 = arith.constant 128 : i32
    %mul3A_2 = arith.muli %add3A, %mul3A_1 : i32
    %dma_start3A = tpu.memref_slice %arg4[%mul3A_2] : memref<4096xi32, #tpu.memory_space<hbm>> -> memref<128xi32, #tpu.memory_space<hbm>>
    %dma_start3A_3 = tpu.memref_slice %arg4[%mul3A_2] : memref<4096xi32, #tpu.memory_space<hbm>> -> memref<128xi32, #tpu.memory_space<hbm>>
    tpu.enqueue_dma source(%dma_start3A_3 : memref<128xi32, #tpu.memory_space<hbm>>) target(%arg6 : memref<128xi32, #tpu.memory_space<vmem>>) target_semaphore(%arg8 : memref<!tpu.dma_semaphore, #tpu.memory_space<semaphore_mem>>)
    %dma_start3A_4 = arith.constant 0 : i32
    %dma_start3A_5 = arith.constant 0 : i32
    %dma_start3A_6 = tpu.memref_slice %arg7[%dma_start3A_4, %dma_start3A_5] : memref<128x384xf32, #tpu.memory_space<vmem>> -> memref<128x128xf32, #tpu.memory_space<vmem>>
    %dma_start3A_7 = arith.constant 0 : i32
    %dma_start3A_8 = tpu.memref_slice %arg2[%mul3A_2, %dma_start3A_7] : memref<4096x128xf32, #tpu.memory_space<hbm>> -> memref<128x128xf32, #tpu.memory_space<hbm>>
    %dma_start3A_9 = arith.constant 0 : i32
    %dma_start3A_10 = arith.constant 0 : i32
    %dma_start3A_11 = tpu.memref_slice %arg7[%dma_start3A_9, %dma_start3A_10] : memref<128x384xf32, #tpu.memory_space<vmem>> -> memref<128x128xf32, #tpu.memory_space<vmem>>
    %dma_start3A_12 = arith.constant 0 : i32
    %dma_start3A_13 = tpu.memref_slice %arg2[%mul3A_2, %dma_start3A_12] : memref<4096x128xf32, #tpu.memory_space<hbm>> -> memref<128x128xf32, #tpu.memory_space<hbm>>
    tpu.enqueue_dma source(%dma_start3A_13 : memref<128x128xf32, #tpu.memory_space<hbm>>) target(%dma_start3A_11 : memref<128x128xf32, #tpu.memory_space<vmem>>) target_semaphore(%arg9 : memref<!tpu.dma_semaphore, #tpu.memory_space<semaphore_mem>>)
    %dma_start3A_14 = arith.constant 0 : i32
    %dma_start3A_15 = arith.constant 128 : i32
    %dma_start3A_16 = tpu.memref_slice %arg7[%dma_start3A_14, %dma_start3A_15] : memref<128x384xf32, #tpu.memory_space<vmem>> -> memref<128x128xf32, #tpu.memory_space<vmem>>
    %dma_start3A_17 = arith.constant 0 : i32
    %dma_start3A_18 = tpu.memref_slice %arg3[%mul3A_2, %dma_start3A_17] : memref<4096x128xf32, #tpu.memory_space<hbm>> -> memref<128x128xf32, #tpu.memory_space<hbm>>
    %dma_start3A_19 = arith.constant 0 : i32
    %dma_start3A_20 = arith.constant 128 : i32
    %dma_start3A_21 = tpu.memref_slice %arg7[%dma_start3A_19, %dma_start3A_20] : memref<128x384xf32, #tpu.memory_space<vmem>> -> memref<128x128xf32, #tpu.memory_space<vmem>>
    %dma_start3A_22 = arith.constant 0 : i32
    %dma_start3A_23 = tpu.memref_slice %arg3[%mul3A_2, %dma_start3A_22] : memref<4096x128xf32, #tpu.memory_space<hbm>> -> memref<128x128xf32, #tpu.memory_space<hbm>>
    tpu.enqueue_dma source(%dma_start3A_23 : memref<128x128xf32, #tpu.memory_space<hbm>>) target(%dma_start3A_21 : memref<128x128xf32, #tpu.memory_space<vmem>>) target_semaphore(%arg10 : memref<!tpu.dma_semaphore, #tpu.memory_space<semaphore_mem>>)
    %dma_wait3A = tpu.memref_slice %arg4[%mul3A_2] : memref<4096xi32, #tpu.memory_space<hbm>> -> memref<128xi32, #tpu.memory_space<hbm>>
    %dma_wait3A_24 = tpu.memref_slice %arg4[%mul3A_2] : memref<4096xi32, #tpu.memory_space<hbm>> -> memref<128xi32, #tpu.memory_space<hbm>>
    tpu.wait_dma2 semaphore(%arg8 : memref<!tpu.dma_semaphore, #tpu.memory_space<semaphore_mem>>) src(%dma_wait3A_24 : memref<128xi32, #tpu.memory_space<hbm>>) dst(%arg6 : memref<128xi32, #tpu.memory_space<vmem>>)
    %dma_start3A_25 = arith.constant 0 : i32
    %dma_start3A_26 = arith.constant 256 : i32
    %dma_start3A_27 = tpu.memref_slice %arg7[%dma_start3A_25, %dma_start3A_26] : memref<128x384xf32, #tpu.memory_space<vmem>> -> memref<128x128xf32, #tpu.memory_space<vmem>>
    %dma_start3A_28 = arith.constant 0 : i32
    %dma_start3A_29 = arith.constant 0 : i32
    %dma_start3A_30 = tpu.memref_slice %arg3[%dma_start3A_28, %dma_start3A_29] : memref<4096x128xf32, #tpu.memory_space<hbm>> -> memref<4096x128xf32, #tpu.memory_space<hbm>>
    tpu.enqueue_indirect_dma source(%dma_start3A_30 : memref<4096x128xf32, #tpu.memory_space<hbm>>) target(%dma_start3A_27 : memref<128x128xf32, #tpu.memory_space<vmem>>) offsets(%arg6 : memref<128xi32, #tpu.memory_space<vmem>>) semaphore(%arg11 : memref<!tpu.dma_semaphore, #tpu.memory_space<semaphore_mem>>)
    %dma_wait3A_31 = arith.constant 0 : i32
    %dma_wait3A_32 = arith.constant 0 : i32
    %dma_wait3A_33 = tpu.memref_slice %arg7[%dma_wait3A_31, %dma_wait3A_32] : memref<128x384xf32, #tpu.memory_space<vmem>> -> memref<128x128xf32, #tpu.memory_space<vmem>>
    %dma_wait3A_34 = arith.constant 0 : i32
    %dma_wait3A_35 = tpu.memref_slice %arg2[%mul3A_2, %dma_wait3A_34] : memref<4096x128xf32, #tpu.memory_space<hbm>> -> memref<128x128xf32, #tpu.memory_space<hbm>>
    %dma_wait3A_36 = arith.constant 0 : i32
    %dma_wait3A_37 = arith.constant 0 : i32
    %dma_wait3A_38 = tpu.memref_slice %arg7[%dma_wait3A_36, %dma_wait3A_37] : memref<128x384xf32, #tpu.memory_space<vmem>> -> memref<128x128xf32, #tpu.memory_space<vmem>>
    %dma_wait3A_39 = arith.constant 0 : i32
    %dma_wait3A_40 = tpu.memref_slice %arg2[%mul3A_2, %dma_wait3A_39] : memref<4096x128xf32, #tpu.memory_space<hbm>> -> memref<128x128xf32, #tpu.memory_space<hbm>>
    tpu.wait_dma2 semaphore(%arg9 : memref<!tpu.dma_semaphore, #tpu.memory_space<semaphore_mem>>) src(%dma_wait3A_40 : memref<128x128xf32, #tpu.memory_space<hbm>>) dst(%dma_wait3A_38 : memref<128x128xf32, #tpu.memory_space<vmem>>)
    %dma_wait3A_41 = arith.constant 0 : i32
    %dma_wait3A_42 = arith.constant 128 : i32
    %dma_wait3A_43 = tpu.memref_slice %arg7[%dma_wait3A_41, %dma_wait3A_42] : memref<128x384xf32, #tpu.memory_space<vmem>> -> memref<128x128xf32, #tpu.memory_space<vmem>>
    %dma_wait3A_44 = arith.constant 0 : i32
    %dma_wait3A_45 = tpu.memref_slice %arg3[%mul3A_2, %dma_wait3A_44] : memref<4096x128xf32, #tpu.memory_space<hbm>> -> memref<128x128xf32, #tpu.memory_space<hbm>>
    %dma_wait3A_46 = arith.constant 0 : i32
    %dma_wait3A_47 = arith.constant 128 : i32
    %dma_wait3A_48 = tpu.memref_slice %arg7[%dma_wait3A_46, %dma_wait3A_47] : memref<128x384xf32, #tpu.memory_space<vmem>> -> memref<128x128xf32, #tpu.memory_space<vmem>>
    %dma_wait3A_49 = arith.constant 0 : i32
    %dma_wait3A_50 = tpu.memref_slice %arg3[%mul3A_2, %dma_wait3A_49] : memref<4096x128xf32, #tpu.memory_space<hbm>> -> memref<128x128xf32, #tpu.memory_space<hbm>>
    tpu.wait_dma2 semaphore(%arg10 : memref<!tpu.dma_semaphore, #tpu.memory_space<semaphore_mem>>) src(%dma_wait3A_50 : memref<128x128xf32, #tpu.memory_space<hbm>>) dst(%dma_wait3A_48 : memref<128x128xf32, #tpu.memory_space<vmem>>)
    %dma_wait3A_51 = arith.constant 0 : i32
    %dma_wait3A_52 = arith.constant 256 : i32
    %dma_wait3A_53 = tpu.memref_slice %arg7[%dma_wait3A_51, %dma_wait3A_52] : memref<128x384xf32, #tpu.memory_space<vmem>> -> memref<128x128xf32, #tpu.memory_space<vmem>>
    %dma_wait3A_54 = arith.constant 0 : i32
    %dma_wait3A_55 = arith.constant 0 : i32
    %dma_wait3A_56 = tpu.memref_slice %arg3[%dma_wait3A_54, %dma_wait3A_55] : memref<4096x128xf32, #tpu.memory_space<hbm>> -> memref<4096x128xf32, #tpu.memory_space<hbm>>
    tpu.wait_indirect_dma semaphore(%arg11 : memref<!tpu.dma_semaphore, #tpu.memory_space<semaphore_mem>>) src(%dma_wait3A_56 : memref<4096x128xf32, #tpu.memory_space<hbm>>) dst(%dma_wait3A_53 : memref<128x128xf32, #tpu.memory_space<vmem>>)
    "tpu.region"() ({
      %run_scoped3A = tpu.sem_alloc : memref<!tpu.dma_semaphore, #tpu.memory_space<semaphore_mem>>
      %dma_start3A_57 = arith.constant 0 : i32
      %dma_start3A_58 = tpu.memref_slice %arg5[%mul3A_2, %dma_start3A_57] : memref<4096x384xf32, #tpu.memory_space<hbm>> -> memref<128x384xf32, #tpu.memory_space<hbm>>
      %dma_start3A_59 = arith.constant 0 : i32
      %dma_start3A_60 = tpu.memref_slice %arg5[%mul3A_2, %dma_start3A_59] : memref<4096x384xf32, #tpu.memory_space<hbm>> -> memref<128x384xf32, #tpu.memory_space<hbm>>
      tpu.enqueue_dma source(%arg7 : memref<128x384xf32, #tpu.memory_space<vmem>>) target(%dma_start3A_60 : memref<128x384xf32, #tpu.memory_space<hbm>>) target_semaphore(%run_scoped3A : memref<!tpu.dma_semaphore, #tpu.memory_space<semaphore_mem>>)
      %dma_wait3A_61 = arith.constant 0 : i32
      %dma_wait3A_62 = tpu.memref_slice %arg5[%mul3A_2, %dma_wait3A_61] : memref<4096x384xf32, #tpu.memory_space<hbm>> -> memref<128x384xf32, #tpu.memory_space<hbm>>
      %dma_wait3A_63 = arith.constant 0 : i32
      %dma_wait3A_64 = tpu.memref_slice %arg5[%mul3A_2, %dma_wait3A_63] : memref<4096x384xf32, #tpu.memory_space<hbm>> -> memref<128x384xf32, #tpu.memory_space<hbm>>
      tpu.wait_dma2 semaphore(%run_scoped3A : memref<!tpu.dma_semaphore, #tpu.memory_space<semaphore_mem>>) src(%arg7 : memref<128x384xf32, #tpu.memory_space<vmem>>) dst(%dma_wait3A_64 : memref<128x384xf32, #tpu.memory_space<hbm>>)
      tpu.yield
    }) : () -> ()
    return
  }
}

module attributes {stable_mosaic.version = 14 : i64} {
  func.func @_tc_body(%arg0: i32, %arg1: memref<1024x512xf32, #tpu.memory_space<vmem>>, %arg2: memref<1024x512xf32, #tpu.memory_space<vmem>>, %arg3: memref<512x1024xf32, #tpu.memory_space<vmem>>, %arg4: memref<1x1024xf32, #tpu.memory_space<vmem>>, %arg5: memref<1024x128xf32, #tpu.memory_space<vmem>>, %arg6: memref<1x128xf32, #tpu.memory_space<vmem>>, %arg7: memref<1024x128xf32, #tpu.memory_space<vmem>>, %arg8: memref<1024x128xf32, #tpu.memory_space<vmem>>, %arg9: memref<1x1x512xi32, #tpu.memory_space<vmem>>, %arg10: memref<4096x128xf32, #tpu.memory_space<vmem>>, %arg11: memref<4096x128xf32, #tpu.memory_space<vmem>>, %arg12: memref<1x4096xf32, #tpu.memory_space<vmem>>) attributes {dimension_semantics = [#tpu.dimension_semantics<arbitrary>], iteration_bounds = array<i64: 12>, scalar_prefetch = 0 : i64, scratch_operands = 3 : i64, tpu.core_type = #tpu.core_type<tc>, window_params = [{transform_indices = @transform_0, window_bounds = array<i64: 1024, 512>}, {transform_indices = @transform_1, window_bounds = array<i64: 1024, 512>}, {pipeline_mode = #tpu.pipeline_mode<synchronous>, transform_indices = @transform_2, window_bounds = array<i64: 512, 1024>}, {pipeline_mode = #tpu.pipeline_mode<synchronous>, transform_indices = @transform_3, window_bounds = array<i64: 1, 1024>}, {pipeline_mode = #tpu.pipeline_mode<synchronous>, transform_indices = @transform_4, window_bounds = array<i64: 1024, 128>}, {pipeline_mode = #tpu.pipeline_mode<synchronous>, transform_indices = @transform_5, window_bounds = array<i64: 1, 128>}, {transform_indices = @transform_6, window_bounds = array<i64: 1024, 128>}, {transform_indices = @transform_7, window_bounds = array<i64: 1024, 128>}, {transform_indices = @transform_8, window_bounds = array<i64: 1, 1, 512>}]} {
    %lt3A = arith.constant 4 : i32
    %lt3A_0 = arith.cmpi slt, %arg0, %lt3A : i32
    %convert_element_type3A = arith.extui %lt3A_0 : i1 to i32
    %cond3A = arith.constant 0 : i32
    %cond3A_1 = arith.cmpi ne, %convert_element_type3A, %cond3A : i32
    scf.if %cond3A_1 {
      %get3A = arith.constant 0 : index
      %get3A_6 = arith.constant 0 : index
      %get3A_7 = vector.load %arg3[%get3A, %get3A_6] : memref<512x1024xf32, #tpu.memory_space<vmem>>, vector<512x1024xf32>
      %get3A_8 = arith.constant 0 : index
      %get3A_9 = arith.constant 0 : index
      %get3A_10 = vector.load %arg4[%get3A_8, %get3A_9] : memref<1x1024xf32, #tpu.memory_space<vmem>>, vector<1x1024xf32>
      %get3A_11 = arith.constant 0 : index
      %get3A_12 = arith.constant 0 : index
      %get3A_13 = vector.load %arg5[%get3A_11, %get3A_12] : memref<1024x128xf32, #tpu.memory_space<vmem>>, vector<1024x128xf32>
      %get3A_14 = arith.constant 0 : index
      %get3A_15 = arith.constant 0 : index
      %get3A_16 = vector.load %arg6[%get3A_14, %get3A_15] : memref<1x128xf32, #tpu.memory_space<vmem>>, vector<1x128xf32>
      %mul3A = arith.constant 1024 : i32
      %mul3A_17 = arith.muli %arg0, %mul3A : i32
      %get3A_18 = arith.constant 0 : index
      %get3A_19 = arith.constant 0 : index
      %get3A_20 = vector.load %arg1[%get3A_18, %get3A_19] : memref<1024x512xf32, #tpu.memory_space<vmem>>, vector<1024x512xf32>
      %dot_general3A = arith.constant dense<0.000000e+00> : vector<1024x1024xf32>
      %dot_general3A_21 = tpu.matmul %get3A_20, %get3A_7, %dot_general3A {dimension_numbers = #tpu.dot_dimension_numbers<[1], [0], [0], [1], [0, 0, 1, 1], [], []>, transpose_lhs_hint = false} : vector<1024x512xf32>, vector<512x1024xf32>, vector<1024x1024xf32> -> vector<1024x1024xf32>
      %add3A = vector.broadcast %get3A_10 : vector<1x1024xf32> to vector<1024x1024xf32>
      %add3A_22 = arith.addf %dot_general3A_21, %add3A : vector<1024x1024xf32>
      %max3A = arith.constant 0.000000e+00 : f32
      %max3A_23 = vector.broadcast %max3A : f32 to vector<1024x1024xf32>
      %max3A_24 = arith.maximumf %add3A_22, %max3A_23 : vector<1024x1024xf32>
      %dot_general3A_25 = arith.constant dense<0.000000e+00> : vector<1024x128xf32>
      %dot_general3A_26 = tpu.matmul %max3A_24, %get3A_13, %dot_general3A_25 {dimension_numbers = #tpu.dot_dimension_numbers<[1], [0], [0], [1], [0, 0, 1, 1], [], []>, transpose_lhs_hint = false} : vector<1024x1024xf32>, vector<1024x128xf32>, vector<1024x128xf32> -> vector<1024x128xf32>
      %add3A_27 = vector.broadcast %get3A_16 : vector<1x128xf32> to vector<1024x128xf32>
      %add3A_28 = arith.addf %dot_general3A_26, %add3A_27 : vector<1024x128xf32>
      %swap3A = arith.constant 0 : index
      %swap3A_29 = arith.constant 0 : index
      %swap3A_30 = vector.load %arg7[%swap3A, %swap3A_29] : memref<1024x128xf32, #tpu.memory_space<vmem>>, vector<1024x128xf32>
      tpu.vector_store %arg7[%swap3A, %swap3A_29], %add3A_28 {strides = array<i32>} : memref<1024x128xf32, #tpu.memory_space<vmem>>, vector<1024x128xf32>,
      %swap3A_31 = arith.index_cast %mul3A_17 : i32 to index
      %swap3A_32 = arith.constant 0 : index
      %swap3A_33 = vector.load %arg10[%swap3A_31, %swap3A_32] : memref<4096x128xf32, #tpu.memory_space<vmem>>, vector<1024x128xf32>
      tpu.vector_store %arg10[%swap3A_31, %swap3A_32], %add3A_28 {strides = array<i32>} : memref<4096x128xf32, #tpu.memory_space<vmem>>, vector<1024x128xf32>,
      %get3A_34 = arith.constant 0 : index
      %get3A_35 = arith.constant 0 : index
      %get3A_36 = vector.load %arg2[%get3A_34, %get3A_35] : memref<1024x512xf32, #tpu.memory_space<vmem>>, vector<1024x512xf32>
      %dot_general3A_37 = arith.constant dense<0.000000e+00> : vector<1024x1024xf32>
      %dot_general3A_38 = tpu.matmul %get3A_36, %get3A_7, %dot_general3A_37 {dimension_numbers = #tpu.dot_dimension_numbers<[1], [0], [0], [1], [0, 0, 1, 1], [], []>, transpose_lhs_hint = false} : vector<1024x512xf32>, vector<512x1024xf32>, vector<1024x1024xf32> -> vector<1024x1024xf32>
      %add3A_39 = vector.broadcast %get3A_10 : vector<1x1024xf32> to vector<1024x1024xf32>
      %add3A_40 = arith.addf %dot_general3A_38, %add3A_39 : vector<1024x1024xf32>
      %max3A_41 = arith.constant 0.000000e+00 : f32
      %max3A_42 = vector.broadcast %max3A_41 : f32 to vector<1024x1024xf32>
      %max3A_43 = arith.maximumf %add3A_40, %max3A_42 : vector<1024x1024xf32>
      %dot_general3A_44 = arith.constant dense<0.000000e+00> : vector<1024x128xf32>
      %dot_general3A_45 = tpu.matmul %max3A_43, %get3A_13, %dot_general3A_44 {dimension_numbers = #tpu.dot_dimension_numbers<[1], [0], [0], [1], [0, 0, 1, 1], [], []>, transpose_lhs_hint = false} : vector<1024x1024xf32>, vector<1024x128xf32>, vector<1024x128xf32> -> vector<1024x128xf32>
      %add3A_46 = vector.broadcast %get3A_16 : vector<1x128xf32> to vector<1024x128xf32>
      %add3A_47 = arith.addf %dot_general3A_45, %add3A_46 : vector<1024x128xf32>
      %swap3A_48 = arith.constant 0 : index
      %swap3A_49 = arith.constant 0 : index
      %swap3A_50 = vector.load %arg8[%swap3A_48, %swap3A_49] : memref<1024x128xf32, #tpu.memory_space<vmem>>, vector<1024x128xf32>
      tpu.vector_store %arg8[%swap3A_48, %swap3A_49], %add3A_47 {strides = array<i32>} : memref<1024x128xf32, #tpu.memory_space<vmem>>, vector<1024x128xf32>,
      %mul3A_51 = arith.constant -2.000000e+00 : f32
      %mul3A_52 = vector.broadcast %mul3A_51 : f32 to vector<1024x128xf32>
      %mul3A_53 = arith.mulf %add3A_47, %mul3A_52 : vector<1024x128xf32>
      %swap3A_54 = arith.index_cast %mul3A_17 : i32 to index
      %swap3A_55 = arith.constant 0 : index
      %swap3A_56 = vector.load %arg11[%swap3A_54, %swap3A_55] : memref<4096x128xf32, #tpu.memory_space<vmem>>, vector<1024x128xf32>
      tpu.vector_store %arg11[%swap3A_54, %swap3A_55], %mul3A_53 {strides = array<i32>} : memref<4096x128xf32, #tpu.memory_space<vmem>>, vector<1024x128xf32>,
      %mul3A_57 = arith.mulf %add3A_47, %add3A_47 : vector<1024x128xf32>
      %reduce_sum3A = arith.constant dense<0.000000e+00> : vector<1024xf32>
      %reduce_sum3A_58 = vector.multi_reduction <add>, %mul3A_57, %reduce_sum3A [1] : vector<1024x128xf32> to vector<1024xf32>
      %broadcast_in_dim3A = vector.shape_cast %reduce_sum3A_58 : vector<1024xf32> to vector<1x1024xf32>
      %swap3A_59 = arith.constant 0 : index
      %swap3A_60 = arith.index_cast %mul3A_17 : i32 to index
      %swap3A_61 = vector.load %arg12[%swap3A_59, %swap3A_60] : memref<1x4096xf32, #tpu.memory_space<vmem>>, vector<1x1024xf32>
      tpu.vector_store %arg12[%swap3A_59, %swap3A_60], %broadcast_in_dim3A {strides = array<i32>} : memref<1x4096xf32, #tpu.memory_space<vmem>>, vector<1x1024xf32>,
    } else {
    }
    %ge3A = arith.constant 4 : i32
    %ge3A_2 = arith.cmpi sge, %arg0, %ge3A : i32
    %convert_element_type3A_3 = arith.extui %ge3A_2 : i1 to i32
    %cond3A_4 = arith.constant 0 : i32
    %cond3A_5 = arith.cmpi ne, %convert_element_type3A_3, %cond3A_4 : i32
    scf.if %cond3A_5 {
      %sub3A = arith.constant 4 : i32
      %sub3A_6 = arith.subi %arg0, %sub3A : i32
      %mul3A = arith.constant 512 : i32
      %mul3A_7 = arith.muli %sub3A_6, %mul3A : i32
      %get3A = arith.index_cast %mul3A_7 : i32 to index
      %get3A_8 = arith.constant 0 : index
      %get3A_9 = vector.load %arg10[%get3A, %get3A_8] : memref<4096x128xf32, #tpu.memory_space<vmem>>, vector<512x128xf32>
      %mul3A_10 = arith.mulf %get3A_9, %get3A_9 : vector<512x128xf32>
      %reduce_sum3A = arith.constant dense<0.000000e+00> : vector<512xf32>
      %reduce_sum3A_11 = vector.multi_reduction <add>, %mul3A_10, %reduce_sum3A [1] : vector<512x128xf32> to vector<512xf32>
      %broadcast_in_dim3A = vector.shape_cast %reduce_sum3A_11 : vector<512xf32> to vector<512x1xf32>
      %get3A_12 = arith.constant 0 : index
      %get3A_13 = arith.constant 0 : index
      %get3A_14 = vector.load %arg11[%get3A_12, %get3A_13] : memref<4096x128xf32, #tpu.memory_space<vmem>>, vector<4096x128xf32>
      %dot_general3A = arith.constant dense<0.000000e+00> : vector<512x4096xf32>
      %dot_general3A_15 = tpu.matmul %get3A_9, %get3A_14, %dot_general3A {dimension_numbers = #tpu.dot_dimension_numbers<[1], [1], [0], [0], [0, 0, 1, 0], [], []>, transpose_lhs_hint = false} : vector<512x128xf32>, vector<4096x128xf32>, vector<512x4096xf32> -> vector<512x4096xf32>
      %get3A_16 = arith.constant 0 : index
      %get3A_17 = arith.constant 0 : index
      %get3A_18 = vector.load %arg12[%get3A_16, %get3A_17] : memref<1x4096xf32, #tpu.memory_space<vmem>>, vector<1x4096xf32>
      %add3A = vector.broadcast %broadcast_in_dim3A : vector<512x1xf32> to vector<512x4096xf32>
      %add3A_19 = vector.broadcast %get3A_18 : vector<1x4096xf32> to vector<512x4096xf32>
      %add3A_20 = arith.addf %add3A, %add3A_19 : vector<512x4096xf32>
      %add3A_21 = arith.addf %add3A_20, %dot_general3A_15 : vector<512x4096xf32>
      %iota3A = tpu.iota {dimensions = array<i32: 0>} : vector<512x512xi32>
      %iota3A_22 = tpu.iota {dimensions = array<i32: 1>} : vector<512x512xi32>
      %eq3A = arith.cmpi eq, %iota3A, %iota3A_22 : vector<512x512xi32>
      %jit3A = arith.constant 1.000000e+20 : f32
      %jit3A_23 = arith.constant 0.000000e+00 : f32
      %broadcast_in_dim3A_24 = vector.broadcast %jit3A : f32 to vector<512x512xf32>
      %broadcast_in_dim3A_25 = vector.broadcast %jit3A_23 : f32 to vector<512x512xf32>
      %select_n3A = arith.select %eq3A, %broadcast_in_dim3A_24, %broadcast_in_dim3A_25 : vector<512x512xi1>, vector<512x512xf32>
      %slice3A = vector.extract_strided_slice %add3A_21 {offsets = [0, 0], sizes = [512, 512], strides = [1, 1]} : vector<512x4096xf32> to vector<512x512xf32>
      %eq3A_26 = arith.constant 0 : i32
      %eq3A_27 = arith.cmpi eq, %sub3A_6, %eq3A_26 : i32
      %add3A_28 = arith.addf %slice3A, %select_n3A : vector<512x512xf32>
      %select_n3A_29 = arith.select %eq3A_27, %add3A_28, %slice3A : vector<512x512xf32>
      %slice3A_30 = vector.extract_strided_slice %add3A_21 {offsets = [0, 512], sizes = [512, 512], strides = [1, 1]} : vector<512x4096xf32> to vector<512x512xf32>
      %eq3A_31 = arith.constant 1 : i32
      %eq3A_32 = arith.cmpi eq, %sub3A_6, %eq3A_31 : i32
      %add3A_33 = arith.addf %slice3A_30, %select_n3A : vector<512x512xf32>
      %select_n3A_34 = arith.select %eq3A_32, %add3A_33, %slice3A_30 : vector<512x512xf32>
      %slice3A_35 = vector.extract_strided_slice %add3A_21 {offsets = [0, 1024], sizes = [512, 512], strides = [1, 1]} : vector<512x4096xf32> to vector<512x512xf32>
      %eq3A_36 = arith.constant 2 : i32
      %eq3A_37 = arith.cmpi eq, %sub3A_6, %eq3A_36 : i32
      %add3A_38 = arith.addf %slice3A_35, %select_n3A : vector<512x512xf32>
      %select_n3A_39 = arith.select %eq3A_37, %add3A_38, %slice3A_35 : vector<512x512xf32>
      %slice3A_40 = vector.extract_strided_slice %add3A_21 {offsets = [0, 1536], sizes = [512, 512], strides = [1, 1]} : vector<512x4096xf32> to vector<512x512xf32>
      %eq3A_41 = arith.constant 3 : i32
      %eq3A_42 = arith.cmpi eq, %sub3A_6, %eq3A_41 : i32
      %add3A_43 = arith.addf %slice3A_40, %select_n3A : vector<512x512xf32>
      %select_n3A_44 = arith.select %eq3A_42, %add3A_43, %slice3A_40 : vector<512x512xf32>
      %slice3A_45 = vector.extract_strided_slice %add3A_21 {offsets = [0, 2048], sizes = [512, 512], strides = [1, 1]} : vector<512x4096xf32> to vector<512x512xf32>
      %eq3A_46 = arith.constant 4 : i32
      %eq3A_47 = arith.cmpi eq, %sub3A_6, %eq3A_46 : i32
      %add3A_48 = arith.addf %slice3A_45, %select_n3A : vector<512x512xf32>
      %select_n3A_49 = arith.select %eq3A_47, %add3A_48, %slice3A_45 : vector<512x512xf32>
      %slice3A_50 = vector.extract_strided_slice %add3A_21 {offsets = [0, 2560], sizes = [512, 512], strides = [1, 1]} : vector<512x4096xf32> to vector<512x512xf32>
      %eq3A_51 = arith.constant 5 : i32
      %eq3A_52 = arith.cmpi eq, %sub3A_6, %eq3A_51 : i32
      %add3A_53 = arith.addf %slice3A_50, %select_n3A : vector<512x512xf32>
      %select_n3A_54 = arith.select %eq3A_52, %add3A_53, %slice3A_50 : vector<512x512xf32>
      %slice3A_55 = vector.extract_strided_slice %add3A_21 {offsets = [0, 3072], sizes = [512, 512], strides = [1, 1]} : vector<512x4096xf32> to vector<512x512xf32>
      %eq3A_56 = arith.constant 6 : i32
      %eq3A_57 = arith.cmpi eq, %sub3A_6, %eq3A_56 : i32
      %add3A_58 = arith.addf %slice3A_55, %select_n3A : vector<512x512xf32>
      %select_n3A_59 = arith.select %eq3A_57, %add3A_58, %slice3A_55 : vector<512x512xf32>
      %slice3A_60 = vector.extract_strided_slice %add3A_21 {offsets = [0, 3584], sizes = [512, 512], strides = [1, 1]} : vector<512x4096xf32> to vector<512x512xf32>
      %eq3A_61 = arith.constant 7 : i32
      %eq3A_62 = arith.cmpi eq, %sub3A_6, %eq3A_61 : i32
      %add3A_63 = arith.addf %slice3A_60, %select_n3A : vector<512x512xf32>
      %select_n3A_64 = arith.select %eq3A_62, %add3A_63, %slice3A_60 : vector<512x512xf32>
      %concatenate3A = tpu.concatenate %select_n3A_29, %select_n3A_34, %select_n3A_39, %select_n3A_44, %select_n3A_49, %select_n3A_54, %select_n3A_59, %select_n3A_64 in 1 : vector<512x512xf32>, vector<512x512xf32>, vector<512x512xf32>, vector<512x512xf32>, vector<512x512xf32>, vector<512x512xf32>, vector<512x512xf32>, vector<512x512xf32> -> vector<512x4096xf32>
      %argmin3A = tpu.reduce_index %concatenate3A {axis = 1 : i32, kind = #tpu.reduction_kind<arg_min>} : vector<512x4096xf32> -> vector<512xi32>
      %swap3A = arith.constant 0 : index
      %swap3A_65 = arith.constant 0 : index
      %swap3A_66 = arith.constant 0 : index
      %swap3A_67 = vector.load %arg9[%swap3A, %swap3A_65, %swap3A_66] : memref<1x1x512xi32, #tpu.memory_space<vmem>>, vector<1x1x512xi32>
      %swap3A_68 = vector.shape_cast %swap3A_67 : vector<1x1x512xi32> to vector<512xi32>
      %swap3A_69 = vector.shape_cast %argmin3A : vector<512xi32> to vector<1x1x512xi32>
      tpu.vector_store %arg9[%swap3A, %swap3A_65, %swap3A_66], %swap3A_69 {strides = array<i32>} : memref<1x1x512xi32, #tpu.memory_space<vmem>>, vector<1x1x512xi32>,
    } else {
    }
    return
  }
  func.func @transform_0(%arg0: i32) -> (i32, i32) {
    %min3A = arith.constant 3 : i32
    %min3A_0 = arith.minsi %arg0, %min3A : i32
    %c0_i32 = arith.constant 0 : i32
    %c0_i32_1 = arith.constant 0 : i32
    return %min3A_0, %c0_i32 : i32, i32
  }
  func.func @transform_1(%arg0: i32) -> (i32, i32) {
    %min3A = arith.constant 3 : i32
    %min3A_0 = arith.minsi %arg0, %min3A : i32
    %c0_i32 = arith.constant 0 : i32
    %c0_i32_1 = arith.constant 0 : i32
    return %min3A_0, %c0_i32 : i32, i32
  }
  func.func @transform_2(%arg0: i32) -> (i32, i32) {
    %c0_i32 = arith.constant 0 : i32
    %c0_i32_0 = arith.constant 0 : i32
    %c0_i32_1 = arith.constant 0 : i32
    return %c0_i32, %c0_i32_0 : i32, i32
  }
  func.func @transform_3(%arg0: i32) -> (i32, i32) {
    %c0_i32 = arith.constant 0 : i32
    %c0_i32_0 = arith.constant 0 : i32
    %c0_i32_1 = arith.constant 0 : i32
    return %c0_i32, %c0_i32_0 : i32, i32
  }
  func.func @transform_4(%arg0: i32) -> (i32, i32) {
    %c0_i32 = arith.constant 0 : i32
    %c0_i32_0 = arith.constant 0 : i32
    %c0_i32_1 = arith.constant 0 : i32
    return %c0_i32, %c0_i32_0 : i32, i32
  }
  func.func @transform_5(%arg0: i32) -> (i32, i32) {
    %c0_i32 = arith.constant 0 : i32
    %c0_i32_0 = arith.constant 0 : i32
    %c0_i32_1 = arith.constant 0 : i32
    return %c0_i32, %c0_i32_0 : i32, i32
  }
  func.func @transform_6(%arg0: i32) -> (i32, i32) {
    %min3A = arith.constant 3 : i32
    %min3A_0 = arith.minsi %arg0, %min3A : i32
    %c0_i32 = arith.constant 0 : i32
    %c0_i32_1 = arith.constant 0 : i32
    return %min3A_0, %c0_i32 : i32, i32
  }
  func.func @transform_7(%arg0: i32) -> (i32, i32) {
    %min3A = arith.constant 3 : i32
    %min3A_0 = arith.minsi %arg0, %min3A : i32
    %c0_i32 = arith.constant 0 : i32
    %c0_i32_1 = arith.constant 0 : i32
    return %min3A_0, %c0_i32 : i32, i32
  }
  func.func @transform_8(%arg0: i32) -> (i32, i32, i32) {
    %sub3A = arith.constant 4 : i32
    %sub3A_0 = arith.subi %arg0, %sub3A : i32
    %max3A = arith.constant 0 : i32
    %max3A_1 = arith.maxsi %sub3A_0, %max3A : i32
    %c0_i32 = arith.constant 0 : i32
    %c0_i32_2 = arith.constant 0 : i32
    %c0_i32_3 = arith.constant 0 : i32
    return %max3A_1, %c0_i32, %c0_i32_2 : i32, i32, i32
  }
}

</mosaic_0001>

<sc_bundles>
// kernel: kernel.4.cloned.1.call-start
scs
__scs_entry_jumppad:
0x0: {  	(pc) =	sbr.rel $0x88, $3  }
0x1: {  	(tag) =	ssettag $0x0;
	lr =	simm.s32 $0x1  }
0x2: {  	[smem:$0x3F9B] =	sst lr;
	_ =	strace $0xD0000000  }
0x3: {  	_ = 	snop  }
0x4: {  	_ = 	snop  }
0x5: {  	_ = 	snop  }
0x6: {  	_ = 	snop  }
0x7: {  	_ = 	snop  }
__scs_overlays_trampoline_lowered:
0x8: {  	[smem:$0x3FAA] =	sst s0  }
0x9: {  	[smem:$0x3FAB] =	sst s1  }
0xa: {  	[smem:$0x3FAC] =	sst s2  }
0xb: {  	[smem:$0x3FAD] =	sst s3  }
0xc: {  	[smem:$0x3FAE] =	sst s4  }
0xd: {  	[smem:$0x3FAF] =	sst s5  }
0xe: {  	[smem:$0x3FB0] =	sst s6  }
0xf: {  	[smem:$0x3FB1] =	sst s7  }
0x10: {  	[smem:$0x3FB2] =	sst s8  }
0x11: {  	[smem:$0x3FB3] =	sst s9;
	s0 =	simm.s32 @!p0 $0x0  }
0x12: {  	s1 =	sld [smem:$0x3F99];
	s0 =	simm.s32 @p0 $0x1  }
0x13: {  	[smem:$0x3FB4] =	sst s0;
	s0 =	simm.s32 @!p1 $0x0  }
0x14: {  	s2 =	sld [smem:$0x3F98];
	s0 =	simm.s32 @p1 $0x1  }
0x15: {  	[smem:$0x3FB5] =	sst s0;
	s0 =	simm.s32 @!p2 $0x0  }
0x16: {  	s3 =	sld [smem:$0x3FDB];
	s0 =	simm.s32 @p2 $0x1  }
0x17: {  	s4 =	simm.s32 $0x1BF5;
	[smem:$0x3FB7] =	sst s0  }
0x18: {  	s0 =	sld [smem:$0x3F9A];
	_ =	swait.ge [sflag:s4], $0x0  }
0x19: {  	s7 =	sld [smem:$0x3F9B]  }
0x1a: {  	s8 =	sadd.s32 $0xFFFFE003, lr  }
0x1b: {  	s9 =	sadd.s32 $0xFFFFFEF7, lr;
	s5 =	simm.s32 $0xFFFFFFFF;
	p2 =	slt.u32 s8, $0xFFFFF086  }
0x1c: {  	p1 =	slt.u32 s9, $0xF7A;
	s5 =	simm.s32 @!p2 $0x0  }
0x1d: {  	s5 =	simm.s32 @p1 $0x1;
	p0 =	seq.s32 s7, s2  }
0x1e: {  	s7 =	smul.u32 @!p0 $0xF7A, s2;
	p2 =	seq.s32 @!p0 s5, $0x0  }
0x1f: {  	s9 =	smul.u32 $0xF7A, s1;
	s8 =	simm.s32 @!p0 $0x1BF5;
	p2 =	por !p2, p0  }
0x20: {  	[sflag:s8] =	ssyncset.s32 @!p0 $0xFFFFF086;
	s6 =	sadd.s32 @!p0 s3, s7;
	s7 =	simm.s32 @!p0 $0x108  }
0x21: {  	s3 =	sadd.s32 s3, s9;
	s6 =	sadd.s32 @!p0 $0x88, s6;
	s7 =	simm.s32 @p2 $0x1082  }
0x22: {  	[simem:s7], [sflag:s8] =	dma.local @!p0 [hbm:s6], $0xF7A  }
0x23: {  	s9 =	sor.u32 $0xD0000000, s2;
	s6 =	simm.s32 $0x108;
	_ =	swait.ge @!p0 [sflag:s8], $0x0  }
0x24: {  	s3 =	sadd.s32 $0x88, s3;
	s6 =	simm.s32 @!p1 $0x1082;
	[sflag:s4] =	ssyncset.s32 $0xFFFFF086  }
0x25: {  	[simem:s6], [sflag:s4] =	dma.local [hbm:s3], $0xF7A  }
0x26: {  	[smem:$0x3F9B] =	sst s1;
	(tag) =	ssettag s2;
	_ =	strace s9  }
0x27: {  	s1 =	sld [smem:$0x3FAB]  }
0x28: {  	s2 =	sld [smem:$0x3FAC]  }
0x29: {  	s4 =	sld [smem:$0x3FAE]  }
0x2a: {  	p0 =	seq.s32 s5, $0x0;
	s5 =	sld [smem:$0x3FAF]  }
0x2b: {  	s6 =	sld [smem:$0x3FB0]  }
0x2c: {  	s7 =	sld [smem:$0x3FB1]  }
0x2d: {  	s3 =	simm.s32 $0x108;
	s8 =	sld [smem:$0x3FB2]  }
0x2e: {  	s3 =	simm.s32 @!p0 $0x1082;
	s9 =	sld [smem:$0x3FB3]  }
0x2f: {  	lr =	sadd.s32 s0, s3;
	s0 =	sld [smem:$0x3FAA]  }
0x30: {  	s3 =	sld [smem:$0x3FAD]  }
0x31: {  	[smem:$0x3FB6] =	sst s10  }
0x32: {  	s10 =	sld [smem:$0x3FB4];
	_ =	sdelay $0x3  }
0x33: {  	p0 =	seq.s32 s10, $0x1;
	s10 =	sld [smem:$0x3FB6];
	_ =	sdelay $0x3  }
0x34: {  	[smem:$0x3FB6] =	sst s10  }
0x35: {  	s10 =	sld [smem:$0x3FB5];
	_ =	sdelay $0x3  }
0x36: {  	p1 =	seq.s32 s10, $0x1;
	s10 =	sld [smem:$0x3FB6];
	_ =	sdelay $0x3  }
0x37: {  	[smem:$0x3FB6] =	sst s10  }
0x38: {  	s10 =	sld [smem:$0x3FB7]  }
0x39: {  	_ = 	snop;
	(pc) =	sbr.ind lr, $3  }
0x3a: {  	_ = 	snop  }
0x3b: {  	_ = 	snop  }
0x3c: {  	p2 =	seq.s32 s10, $0x1;
	s10 =	sld [smem:$0x3FB6]  }
0x3d: {  	_ =	shalt  }
0x3e: {  	_ =	shalt  }
0x3f: {  	_ =	shalt  }
0x40: {  	_ =	shalt  }
0x41: {  	_ =	shalt  }
0x42: {  	_ =	shalt  }
0x43: {  	_ =	shalt  }
0x44: {  	_ =	shalt  }
0x45: {  	_ =	shalt  }
0x46: {  	_ =	shalt  }
0x47: {  	_ =	shalt  }
0x48: {  	_ =	shalt  }
0x49: {  	_ =	shalt  }
0x4a: {  	_ =	shalt  }
0x4b: {  	_ =	shalt  }
0x4c: {  	_ =	shalt  }
0x4d: {  	_ =	shalt  }
0x4e: {  	_ =	shalt  }
0x4f: {  	_ =	shalt  }
0x50: {  	_ =	shalt  }
0x51: {  	_ =	shalt  }
0x52: {  	_ =	shalt  }
0x53: {  	_ =	shalt  }
0x54: {  	_ =	shalt  }
0x55: {  	_ =	shalt  }
0x56: {  	_ =	shalt  }
0x57: {  	_ =	shalt  }
0x58: {  	_ =	shalt  }
0x59: {  	_ =	shalt  }
0x5a: {  	_ =	shalt  }
0x5b: {  	_ =	shalt  }
0x5c: {  	_ =	shalt  }
0x5d: {  	_ =	shalt  }
0x5e: {  	_ =	shalt  }
0x5f: {  	_ =	shalt  }
0x60: {  	_ =	shalt  }
0x61: {  	_ =	shalt  }
0x62: {  	_ =	shalt  }
0x63: {  	_ =	shalt  }
0x64: {  	_ =	shalt  }
0x65: {  	_ =	shalt  }
0x66: {  	_ =	shalt  }
0x67: {  	_ =	shalt  }
0x68: {  	_ =	shalt  }
0x69: {  	_ =	shalt  }
0x6a: {  	_ =	shalt  }
0x6b: {  	_ =	shalt  }
0x6c: {  	_ =	shalt  }
0x6d: {  	_ =	shalt  }
0x6e: {  	_ =	shalt  }
0x6f: {  	_ =	shalt  }
0x70: {  	_ =	shalt  }
0x71: {  	_ =	shalt  }
0x72: {  	_ =	shalt  }
0x73: {  	_ =	shalt  }
0x74: {  	_ =	shalt  }
0x75: {  	_ =	shalt  }
0x76: {  	_ =	shalt  }
0x77: {  	_ =	shalt  }
0x78: {  	_ =	shalt  }
0x79: {  	_ =	shalt  }
0x7a: {  	_ =	shalt  }
0x7b: {  	_ =	shalt  }
0x7c: {  	_ =	shalt  }
0x7d: {  	_ =	shalt  }
0x7e: {  	_ =	shalt  }
0x7f: {  	_ =	shalt  }
0x80: {  	_ =	shalt  }
0x81: {  	_ =	shalt  }
0x82: {  	_ =	shalt  }
0x83: {  	_ =	shalt  }
0x84: {  	_ =	shalt  }
0x85: {  	_ =	shalt  }
0x86: {  	_ =	shalt  }
0x87: {  	_ =	shalt  }
.Lfunc_end0:
.L_simem_size_0:
called_computation_lowered:
.L_overlay_start_0:
0x88: {  	s2 =	sld [smem:$0x3FD9]  }
0x89: {  	s3 =	sld [smem:$0x3FFE];
	_ =	sdelay $0x1  }
0x8a: {  	s1 =	srdreg.scid  }
0x8b: {  	s0 =	sand.u32 $0x1, s1  }
0x8c: {  	s17 =	sshll.u32 s0, $0xA;
	s2 =	sadd.s32 s3, s2  }
0x8d: {  	s2 =	sadd.s32 s2, s17  }
0x8e: {  	[smem:$0x3FC2] =	sst s2  }
0x8f: {  	_ = 	snop  }
0x90: {  	s2 =	sld [smem:$0x3FD0];
	(tm) =	ssettm $0x1  }
0x91: {  	s18 =	sld [smem:$0x3FFB];
	_ =	sdelay $0x3  }
0x92: {  	_ =	strace s18  }
0x93: {  	s3 =	sld [smem:$0x3FFC];
	_ =	sdelay $0x3  }
0x94: {  	_ =	strace s3  }
0x95: {  	s3 =	sld [smem:$0x3FFD];
	_ =	sdelay $0x3  }
0x96: {  	_ =	strace s3  }
0x97: {  	_ =	strace $0x8FFFFFFF  }
0x98: {  	s19 =	sld [smem:$0x3FDB];
	_ =	sdelay $0x1  }
0x99: {  	s4 =	simm.s32 $_scs_section_size  }
0x9a: {  	s5 =	simm.s32 $_size__tile_overlayer_lowered;
	s6 =	simm.s32 $_tile_overlayer_lowered  }
0x9b: {  	s22 =	simm.s32 $0x1BFF;
	s21 =	sshll.u32 s6, $0x1;
	s3 =	sadd.s32 s4, s19  }
0x9c: {  	s7 =	simm.s32 $0x0;
	s20 =	sshll.u32 s5, $0x1;
	s5 =	sadd.s32 s21, s3  }
0x9d: {  	[timem:s7], [sflag:s22] =	dma.local [hbm:s5], s20  }
0x9e: {  	_ =	swait.ge [sflag:s22], s20  }
0x9f: {  	s4 =	ssub.s32 $0x0, s20;
	[sflag:s22] =	ssyncset.done $0x0  }
0xa0: {  	[sflag:s22] =	ssyncadd.s32 s4;
	_ =	sdelay $0x1  }
0xa1: {  	s23 =	simm.s32 $0x1B8B  }
0xa2: {  	_ =	swait.ge [sflag:s23], $0x1  }
0xa3: {  	[sflag:s23] =	ssyncset.done $0x0  }
0xa4: {  	s25 =	simm.s32 $0x1B8E;
	s24 =	sld [smem:$0x3FFE];
	[sflag:s23] =	ssyncadd.s32 $0xFFFFFFFF  }
0xa5: {  	s26 =	simm.s32 $execute0_lowered;
	[smem:$0x3FD2] =	sst s25  }
0xa6: {  	s5 =	sshll.u32 s26, $0x1;
	_ =	strace $0x80000046;
	[dreg:$0x1] =	wrdreg $0xFFFFFFFF  }
0xa7: {  	s28 =	simm.s32 $_size_execute0_lowered;
	s3 =	sadd.s32 s3, s5;
	[dreg:$0x0] =	wrdreg $0x0  }
0xa8: {  	s5 =	sshll.u32 s28, $0x1;
	[dreg:$0x2] =	wrdreg s3  }
0xa9: {  	[dreg:$0x3] =	wrdreg s5  }
0xaa: {  	[dreg:$0x4] =	wrdreg $0xC0  }
0xab: {  	_ =	task [dreg:s7], $0x5FFFF  }
0xac: {  	[dreg:$0x1] =	wrdreg $0xFFFFFFFF  }
0xad: {  	[dreg:$0x0] =	wrdreg $0x60  }
0xae: {  	[dreg:$0x2] =	wrdreg s24  }
0xaf: {  	[dreg:$0x3] =	wrdreg s2  }
0xb0: {  	[dreg:$0x4] =	wrdreg $0x9  }
0xb1: {  	_ =	task.clear_ibuf [dreg:s7], $0x5FFFF;
	_ =	strace $0x90000046  }
0xb2: {  	s29 =	simm.s32 $0x9;
	_ =	strace $0x80000048  }
0xb3: {  	_ =	swait.ge [sflag:s29], $0x1  }
0xb4: {  	[sflag:s29] =	ssyncadd.s32 $0xFFFFFFFF  }
0xb5: {  	_ =	strace $0x90000048  }
0xb6: {  	_ =	sfence  }
0xb7: {  	s30 =	sld [smem:$0x0];
	_ =	sdelay $0x2  }
0xb8: {  	s31 =	sshll.u32 s1, $0xD;
	s1 =	sshrl.u32 s1, $0x2  }
0xb9: {  	s3 =	sand.u32 $0x4000, s31;
	s1 =	sadd.s32 s1, s30  }
0xba: {  	s0 =	sor.u32 s3, s0;
	s1 =	sshll.u32 s1, $0x11  }
0xbb: {  	s0 =	sor.u32 s1, s0  }
0xbc: {  	s0 =	sadd.s32 $0x8F2B, s0  }
0xbd: {  	[sflag:s0] =	ssyncadd.remote.s32 $0x1  }
0xbe: {  	_ =	sfence.sel $0xFFFF  }
0xbf: {  	[dreg:$0x0] =	wrdreg $0xFFFFFFFF;
	(pc) =	sbr.abs _section_cstart, $3  }
0xc0: {  	[dreg:$0x1] =	wrdreg $0xFFFFFFFF  }
0xc1: {  	_ =	task.clear_ibuf [dreg:s7], $0x2FFFF;
	_ =	strace $0x9FFFFFFF  }
0xc2: {  	(tm) =	ssettm $0x7FFFFFFF  }
0xc3: {  	_ =	shalt  }
tec
execute0_lowered:
.L_overlay_start_1:
0x0: {  	(tag) =	ssettag $0x1  }
0x1: {  	s1 =	srdreg.scid  }
0x2: {  	s0 =	stileid.u32;
	s1 =	sand.u32 $0x1, s1  }
0x3: {  	s5 =	sshll.u32 s0, $0x8;
	s6 =	sshll.u32 s1, $0x7  }
0x4: {  	s3 =	rddreg [dreg:$0x0];
	s5 =	sor.u32 s6, s5  }
0x5: {  	s4 =	rddreg [dreg:$0x1];
	s6 =	sshrl.u32 s5, $0x3  }
0x6: {  	s2 =	simm.s32 $0x0;
	s5 =	sshll.u32 s5, $0x4;
	s7 =	sadd.s32 s6, s3  }
0x7: {  	[smem:$0x7FF] =	sst s2;
	s8 =	sadd.s32 s5, s3;
	s7 =	sadd.s32 $0x21600, s7  }
0x8: {  	_ =	strace $0x80000047;
	s12 =	sadd.s32 $0x1600, s8;
	[dreg:$0x3] =	wrdreg s7  }
0x9: {  	s13 =	sadd.s32 $0x1680, s8;
	[dreg:$0x5] =	wrdreg s12  }
0xa: {  	s14 =	sadd.s32 $0x1700, s8;
	[dreg:$0x6] =	wrdreg s13  }
0xb: {  	s15 =	sadd.s32 $0x1780, s8;
	[dreg:$0x7] =	wrdreg s14  }
0xc: {  	s16 =	sadd.s32 $0x1800, s8;
	[dreg:$0x8] =	wrdreg s15  }
0xd: {  	s17 =	sadd.s32 $0x1880, s8;
	[dreg:$0x9] =	wrdreg s16  }
0xe: {  	s18 =	sadd.s32 $0x1900, s8;
	[dreg:$0xa] =	wrdreg s17  }
0xf: {  	s19 =	sadd.s32 $0x1980, s8;
	[dreg:$0xb] =	wrdreg s18  }
0x10: {  	s20 =	sadd.s32 $0x1A00, s8;
	[dreg:$0xc] =	wrdreg s19  }
0x11: {  	s21 =	sadd.s32 $0x1A80, s8;
	[dreg:$0xd] =	wrdreg s20  }
0x12: {  	s22 =	sadd.s32 $0x1B00, s8;
	[dreg:$0xe] =	wrdreg s21  }
0x13: {  	s23 =	sadd.s32 $0x1B80, s8;
	[dreg:$0xf] =	wrdreg s22  }
0x14: {  	s24 =	sadd.s32 $0x1C00, s8;
	[dreg:$0x10] =	wrdreg s23  }
0x15: {  	s25 =	sadd.s32 $0x1C80, s8;
	[dreg:$0x11] =	wrdreg s24  }
0x16: {  	s6 =	smul.u32 $0x180, s6;
	s26 =	sadd.s32 $0x1D00, s8;
	[dreg:$0x12] =	wrdreg s25  }
0x17: {  	s0 =	sadd.s32 $0x1D80, s8;
	[dreg:$0x13] =	wrdreg s26  }
0x18: {  	s4 =	sadd.s32 s4, s6;
	[dreg:$0x14] =	wrdreg s0  }
0x19: {  	s21 =	simm.s32 $0xC80;
	[dreg:$0x4] =	wrdreg s4  }
0x1a: {  	s22 =	simm.s32 $0x1880;
	[smem:$0x7E3] =	sst s21  }
0x1b: {  	s23 =	simm.s32 $0x2480;
	[smem:$0x7E4] =	sst s22  }
0x1c: {  	s24 =	simm.s32 $0x3080;
	[smem:$0x7E5] =	sst s23  }
0x1d: {  	s25 =	simm.s32 $0x3C80;
	[smem:$0x7E6] =	sst s24  }
0x1e: {  	s26 =	simm.s32 $0x4880;
	[smem:$0x7E7] =	sst s25  }
0x1f: {  	s0 =	simm.s32 $0x5480;
	[smem:$0x7E8] =	sst s26  }
0x20: {  	[smem:$0x7E9] =	sst s0;
	s21 =	simm.s32 $0x5880  }
0x21: {  	s22 =	simm.s32 $0x6480;
	[smem:$0x7F9] =	sst s21  }
0x22: {  	s24 =	simm.s32 $0x7080;
	[smem:$0x7FA] =	sst s22  }
0x23: {  	s3 =	sadd.s32 $0x11600, s3;
	s25 =	simm.s32 $0x7C80;
	[smem:$0x7FB] =	sst s24  }
0x24: {  	s4 =	sadd.s32 s3, s5;
	s26 =	simm.s32 $0x8880;
	[smem:$0x7FC] =	sst s25  }
0x25: {  	s6 =	sadd.s32 $0x80, s4;
	[smem:$0x7FD] =	sst s26  }
0x26: {  	s7 =	sadd.s32 $0x100, s4;
	[dreg:$0x15] =	wrdreg s6  }
0x27: {  	s8 =	sadd.s32 $0x180, s4;
	[dreg:$0x16] =	wrdreg s7  }
0x28: {  	s9 =	sadd.s32 $0x200, s4;
	[dreg:$0x17] =	wrdreg s8  }
0x29: {  	s10 =	sadd.s32 $0x280, s4;
	[dreg:$0x18] =	wrdreg s9  }
0x2a: {  	s11 =	sadd.s32 $0x300, s4;
	[dreg:$0x19] =	wrdreg s10  }
0x2b: {  	s12 =	sadd.s32 $0x380, s4;
	[dreg:$0x1a] =	wrdreg s11  }
0x2c: {  	s13 =	sadd.s32 $0x400, s4;
	[dreg:$0x1b] =	wrdreg s12  }
0x2d: {  	s14 =	sadd.s32 $0x480, s4;
	[dreg:$0x1c] =	wrdreg s13  }
0x2e: {  	s15 =	sadd.s32 $0x500, s4;
	[dreg:$0x1d] =	wrdreg s14  }
0x2f: {  	s16 =	sadd.s32 $0x580, s4;
	[dreg:$0x1e] =	wrdreg s15  }
0x30: {  	s17 =	sadd.s32 $0x600, s4;
	[dreg:$0x1f] =	wrdreg s16  }
0x31: {  	s18 =	sadd.s32 $0x680, s4;
	[smem:$0x7DF] =	sst s17  }
0x32: {  	s19 =	sadd.s32 $0x700, s4;
	[smem:$0x7E0] =	sst s18  }
0x33: {  	s20 =	sadd.s32 $0x780, s4;
	[smem:$0x7E1] =	sst s19  }
0x34: {  	[smem:$0x7E2] =	sst s20;
	s6 =	simm.s32 $0x6080  }
0x35: {  	s7 =	simm.s32 $0x6C80;
	[smem:$0x7EA] =	sst s6  }
0x36: {  	s28 =	simm.s32 $0xBC80;
	s8 =	simm.s32 $0x7880;
	[smem:$0x7EB] =	sst s7  }
0x37: {  	s29 =	simm.s32 $0x2;
	s9 =	simm.s32 $0x8480;
	[smem:$0x7EC] =	sst s8  }
0x38: {  	s30 =	simm.s32 $0x3;
	s10 =	simm.s32 $0x9080;
	[smem:$0x7ED] =	sst s9  }
0x39: {  	s31 =	simm.s32 $0x4;
	s11 =	simm.s32 $0x9C80;
	[smem:$0x7EE] =	sst s10  }
0x3a: {  	s1 =	ssub.s32 $0x2, s1;
	s12 =	simm.s32 $0xA880;
	[smem:$0x7EF] =	sst s11  }
0x3b: {  	s23 =	sshrl.u32 s1, $0x1;
	s13 =	simm.s32 $0xB480;
	[smem:$0x7F0] =	sst s12  }
0x3c: {  	s1 =	ssub.s32 s1, s23;
	s14 =	simm.s32 $0x480;
	[smem:$0x7F1] =	sst s13  }
0x3d: {  	s21 =	simm.s32 $0x7480;
	s15 =	simm.s32 $0x1080;
	[smem:$0x7F2] =	sst s14  }
0x3e: {  	s22 =	simm.s32 $0x8080;
	s16 =	simm.s32 $0x1C80;
	[smem:$0x7F3] =	sst s15  }
0x3f: {  	s23 =	simm.s32 $0x8C80;
	s17 =	simm.s32 $0x2880;
	[smem:$0x7F4] =	sst s16  }
0x40: {  	s24 =	simm.s32 $0x9880;
	s18 =	simm.s32 $0x3480;
	[smem:$0x7F5] =	sst s17  }
0x41: {  	s25 =	simm.s32 $0xA480;
	s19 =	simm.s32 $0x4080;
	[smem:$0x7F6] =	sst s18  }
0x42: {  	s26 =	simm.s32 $0xB080;
	s20 =	simm.s32 $0x4C80;
	[smem:$0x7F7] =	sst s19  }
0x43: {  	s5 =	smax.u32 s1, $0x1;
	s1 =	simm.s32 $0x5;
	[smem:$0x7F8] =	sst s20  }
0x44: {  	s6 =	simm.s32 $0x80;
	s10 =	simm.s32 $0xB880;
	s11 =	simm.s32 $0x1  }
0x45: {  	v2 =	vlaneseq.u32;
	s12 =	simm.s32 $0x880;
	s13 =	simm.s32 $0x1480;
	s14 =	simm.s32 $0x2080  }
0x46: {  	vm0 =	vmmov $0xff;
	v1 =	vshrl.u32 v2, $0x3;
	s15 =	simm.s32 $0x2C80;
	s16 =	simm.s32 $0x3880;
	s17 =	simm.s32 $0x4480  }
0x47: {  	v0 =	vand.u32 $0x7, v2;
	v2 =	vor.u32 $0x8, v2;
	v1 =	vmul.u32 $0x8, v1;
	s18 =	simm.s32 $0x5080;
	s19 =	simm.s32 $0x5C80;
	s20 =	simm.s32 $0x6880  }
.LBB2_1:
0x48: {  	s0 =	rddreg [dreg:$0x3]  }
0x49: {  	s9 =	rddreg [dreg:$0x5]  }
0x4a: {  	s7 =	rddreg [dreg:$0x6]  }
0x4b: {  	[tilespmem:s2], [sflag:$0x1] =	stream.linear.gather [hbm4b:s0+s2], $0x80, $0x38;
	[tilespmem:$0xC080] =	vst v63  }
0x4c: {  	s8 =	sld [smem:$0x7E3]  }
0x4d: {  	[tilespmem:s6], [sflag:$0x2] =	stream.linear.gather [hbm4b:s9+s2], $0x400, $0x38;
	[tilespmem:$0xC080] =	vst v63  }
0x4e: {  	s0 =	rddreg [dreg:$0x7]  }
0x4f: {  	[tilespmem:s8], [sflag:$0x2] =	stream.linear.gather [hbm4b:s7+s2], $0x400, $0x38;
	[tilespmem:$0xC080] =	vst v63  }
0x50: {  	s7 =	sld [smem:$0x7E4]  }
0x51: {  	s9 =	sld [smem:$0x7E5]  }
0x52: {  	s8 =	rddreg [dreg:$0x8]  }
0x53: {  	[tilespmem:s7], [sflag:$0x2] =	stream.linear.gather [hbm4b:s0+s2], $0x400, $0x38;
	[tilespmem:$0xC080] =	vst v63  }
0x54: {  	s0 =	rddreg [dreg:$0x9]  }
0x55: {  	s7 =	sld [smem:$0x7E6]  }
0x56: {  	[tilespmem:s9], [sflag:$0x2] =	stream.linear.gather [hbm4b:s8+s2], $0x400, $0x38;
	[tilespmem:$0xC080] =	vst v63  }
0x57: {  	s8 =	rddreg [dreg:$0xa]  }
0x58: {  	s9 =	sld [smem:$0x7E7]  }
0x59: {  	[tilespmem:s7], [sflag:$0x2] =	stream.linear.gather [hbm4b:s0+s2], $0x400, $0x38;
	[tilespmem:$0xC080] =	vst v63  }
0x5a: {  	s0 =	rddreg [dreg:$0xb]  }
0x5b: {  	s7 =	sld [smem:$0x7E8]  }
0x5c: {  	[tilespmem:s9], [sflag:$0x2] =	stream.linear.gather [hbm4b:s8+s2], $0x400, $0x38;
	[tilespmem:$0xC080] =	vst v63  }
0x5d: {  	s8 =	rddreg [dreg:$0xc]  }
0x5e: {  	s9 =	sld [smem:$0x7E9]  }
0x5f: {  	[tilespmem:s7], [sflag:$0x2] =	stream.linear.gather [hbm4b:s0+s2], $0x400, $0x38;
	[tilespmem:$0xC080] =	vst v63  }
0x60: {  	s0 =	rddreg [dreg:$0xd]  }
0x61: {  	s7 =	sld [smem:$0x7EA]  }
0x62: {  	[tilespmem:s9], [sflag:$0x2] =	stream.linear.gather [hbm4b:s8+s2], $0x400, $0x38;
	[tilespmem:$0xC080] =	vst v63  }
0x63: {  	s8 =	rddreg [dreg:$0xe]  }
0x64: {  	s9 =	sld [smem:$0x7EB]  }
0x65: {  	[tilespmem:s7], [sflag:$0x2] =	stream.linear.gather [hbm4b:s0+s2], $0x400, $0x38;
	[tilespmem:$0xC080] =	vst v63  }
0x66: {  	s0 =	rddreg [dreg:$0xf]  }
0x67: {  	s7 =	sld [smem:$0x7EC]  }
0x68: {  	[tilespmem:s9], [sflag:$0x2] =	stream.linear.gather [hbm4b:s8+s2], $0x400, $0x38;
	[tilespmem:$0xC080] =	vst v63  }
0x69: {  	s8 =	rddreg [dreg:$0x10]  }
0x6a: {  	s9 =	sld [smem:$0x7ED]  }
0x6b: {  	[tilespmem:s7], [sflag:$0x2] =	stream.linear.gather [hbm4b:s0+s2], $0x400, $0x38;
	[tilespmem:$0xC080] =	vst v63  }
0x6c: {  	s0 =	rddreg [dreg:$0x11]  }
0x6d: {  	s7 =	sld [smem:$0x7EE]  }
0x6e: {  	[tilespmem:s9], [sflag:$0x2] =	stream.linear.gather [hbm4b:s8+s2], $0x400, $0x38;
	[tilespmem:$0xC080] =	vst v63  }
0x6f: {  	s8 =	rddreg [dreg:$0x12]  }
0x70: {  	s9 =	sld [smem:$0x7EF]  }
0x71: {  	[tilespmem:s7], [sflag:$0x2] =	stream.linear.gather [hbm4b:s0+s2], $0x400, $0x38;
	[tilespmem:$0xC080] =	vst v63  }
0x72: {  	s0 =	rddreg [dreg:$0x13]  }
0x73: {  	s7 =	sld [smem:$0x7F0]  }
0x74: {  	[tilespmem:s9], [sflag:$0x2] =	stream.linear.gather [hbm4b:s8+s2], $0x400, $0x38;
	[tilespmem:$0xC080] =	vst v63  }
0x75: {  	s8 =	rddreg [dreg:$0x14]  }
0x76: {  	s9 =	sld [smem:$0x7F1]  }
0x77: {  	[tilespmem:s7], [sflag:$0x2] =	stream.linear.gather [hbm4b:s0+s2], $0x400, $0x38;
	[tilespmem:$0xC080] =	vst v63  }
0x78: {  	s7 =	sld [smem:$0x7F2]  }
0x79: {  	s0 =	rddreg [dreg:$0x16]  }
0x7a: {  	[tilespmem:s9], [sflag:$0x2] =	stream.linear.gather [hbm4b:s8+s2], $0x400, $0x38;
	[tilespmem:$0xC080] =	vst v63  }
0x7b: {  	s8 =	rddreg [dreg:$0x15]  }
0x7c: {  	s9 =	sld [smem:$0x7F3]  }
0x7d: {  	[tilespmem:s7], [sflag:$0x3] =	stream.linear.gather [hbm4b:s4+s2], $0x400, $0x38;
	[tilespmem:$0xC080] =	vst v63  }
0x7e: {  	s7 =	sld [smem:$0x7F4]  }
0x7f: {  	[tilespmem:s9], [sflag:$0x3] =	stream.linear.gather [hbm4b:s8+s2], $0x400, $0x38;
	[tilespmem:$0xC080] =	vst v63  }
0x80: {  	s8 =	rddreg [dreg:$0x17]  }
0x81: {  	s9 =	sld [smem:$0x7F5]  }
0x82: {  	[tilespmem:s7], [sflag:$0x3] =	stream.linear.gather [hbm4b:s0+s2], $0x400, $0x38;
	[tilespmem:$0xC080] =	vst v63  }
0x83: {  	s0 =	rddreg [dreg:$0x18]  }
0x84: {  	s7 =	sld [smem:$0x7F6]  }
0x85: {  	[tilespmem:s9], [sflag:$0x3] =	stream.linear.gather [hbm4b:s8+s2], $0x400, $0x38;
	[tilespmem:$0xC080] =	vst v63  }
0x86: {  	s8 =	rddreg [dreg:$0x19]  }
0x87: {  	s9 =	sld [smem:$0x7F7]  }
0x88: {  	[tilespmem:s7], [sflag:$0x3] =	stream.linear.gather [hbm4b:s0+s2], $0x400, $0x38;
	[tilespmem:$0xC080] =	vst v63  }
0x89: {  	s0 =	rddreg [dreg:$0x1a]  }
0x8a: {  	s7 =	sld [smem:$0x7F8]  }
0x8b: {  	[tilespmem:s9], [sflag:$0x3] =	stream.linear.gather [hbm4b:s8+s2], $0x400, $0x38;
	[tilespmem:$0xC080] =	vst v63  }
0x8c: {  	s8 =	rddreg [dreg:$0x1b]  }
0x8d: {  	s9 =	sld [smem:$0x7F9]  }
0x8e: {  	[tilespmem:s7], [sflag:$0x3] =	stream.linear.gather [hbm4b:s0+s2], $0x400, $0x38;
	[tilespmem:$0xC080] =	vst v63  }
0x8f: {  	s0 =	rddreg [dreg:$0x1c]  }
0x90: {  	s7 =	sld [smem:$0x7FA]  }
0x91: {  	[tilespmem:s9], [sflag:$0x3] =	stream.linear.gather [hbm4b:s8+s2], $0x400, $0x38;
	[tilespmem:$0xC080] =	vst v63  }
0x92: {  	s8 =	rddreg [dreg:$0x1d]  }
0x93: {  	s9 =	sld [smem:$0x7FB]  }
0x94: {  	[tilespmem:s7], [sflag:$0x3] =	stream.linear.gather [hbm4b:s0+s2], $0x400, $0x38;
	[tilespmem:$0xC080] =	vst v63  }
0x95: {  	s0 =	rddreg [dreg:$0x1e]  }
0x96: {  	s7 =	sld [smem:$0x7FC]  }
0x97: {  	[tilespmem:s9], [sflag:$0x3] =	stream.linear.gather [hbm4b:s8+s2], $0x400, $0x38;
	[tilespmem:$0xC080] =	vst v63  }
0x98: {  	s8 =	rddreg [dreg:$0x1f]  }
0x99: {  	s9 =	sld [smem:$0x7FD]  }
0x9a: {  	[tilespmem:s7], [sflag:$0x3] =	stream.linear.gather [hbm4b:s0+s2], $0x400, $0x38;
	[tilespmem:$0xC080] =	vst v63  }
0x9b: {  	s0 =	sld [smem:$0x7DF]  }
0x9c: {  	[tilespmem:s9], [sflag:$0x3] =	stream.linear.gather [hbm4b:s8+s2], $0x400, $0x38;
	[tilespmem:$0xC080] =	vst v63  }
0x9d: {  	s7 =	sld [smem:$0x7E0];
	s9 =	simm.s32 $0x9480  }
0x9e: {  	[tilespmem:s9], [sflag:$0x3] =	stream.linear.gather [hbm4b:s0+s2], $0x400, $0x38;
	[tilespmem:$0xC080] =	vst v63  }
0x9f: {  	s0 =	sld [smem:$0x7E1];
	s9 =	simm.s32 $0xA080  }
0xa0: {  	[tilespmem:s9], [sflag:$0x3] =	stream.linear.gather [hbm4b:s7+s2], $0x400, $0x38;
	[tilespmem:$0xC080] =	vst v63  }
0xa1: {  	s7 =	sld [smem:$0x7E2];
	s9 =	simm.s32 $0xAC80  }
0xa2: {  	[tilespmem:s9], [sflag:$0x3] =	stream.linear.gather [hbm4b:s0+s2], $0x400, $0x38;
	[tilespmem:$0xC080] =	vst v63  }
0xa3: {  	_ = 	snop  }
0xa4: {  	[tilespmem:s10], [sflag:$0x3] =	stream.linear.gather [hbm4b:s7+s2], $0x400, $0x38;
	[tilespmem:$0xC080] =	vst v63  }
0xa5: {  	_ =	swait.ge [sflag:s11], $0x80  }
0xa6: {  	[sflag:s11] =	ssyncset.done $0x0  }
0xa7: {  	[sflag:s11] =	ssyncadd.s32 $0xFFFFFF80  }
0xa8: {  	v3 =	vld [tilespmem:$0x0];
	_ =	sdelay $0x4  }
0xa9: {  	v4 =	vperm.xlane v3, v0;
	_ =	sdelay $0x1  }
0xaa: {  	v3 =	vperm.xlane v3, v2;
	v4 =	vadd.s32 v1, v4;
	_ =	sdelay $0x1  }
0xab: {  	v3 =	vadd.s32 v1, v3;
	_ =	sdelay $0x2  }
0xac: {  	[tilespmem:s12], [sflag:$0x4] =	stream.indirect_vreg.gather [hbm4b:s3+s2], $0x80, v4, vm0, $0xb8;
	[tilespmem:$0xC080] =	vst v63  }
0xad: {  	_ = 	snop  }
0xae: {  	[tilespmem:s13], [sflag:$0x4] =	stream.indirect_vreg.gather [hbm4b:s3+s2], $0x80, v3, vm0, $0xb8;
	[tilespmem:$0xC080] =	vst v63  }
0xaf: {  	v3 =	vld [tilespmem:$0x10];
	_ =	sdelay $0x4  }
0xb0: {  	v57 =	vperm.xlane v3, v0;
	_ =	sdelay $0x1  }
0xb1: {  	v3 =	vperm.xlane v3, v2;
	v4 =	vadd.s32 v1, v57;
	_ =	sdelay $0x1  }
0xb2: {  	v3 =	vadd.s32 v1, v3;
	_ =	sdelay $0x2  }
0xb3: {  	[tilespmem:s14], [sflag:$0x4] =	stream.indirect_vreg.gather [hbm4b:s3+s2], $0x80, v4, vm0, $0xb8;
	[tilespmem:$0xC080] =	vst v63  }
0xb4: {  	_ = 	snop  }
0xb5: {  	[tilespmem:s15], [sflag:$0x4] =	stream.indirect_vreg.gather [hbm4b:s3+s2], $0x80, v3, vm0, $0xb8;
	[tilespmem:$0xC080] =	vst v63  }
0xb6: {  	v3 =	vld [tilespmem:$0x20];
	_ =	sdelay $0x4  }
0xb7: {  	v58 =	vperm.xlane v3, v0;
	_ =	sdelay $0x1  }
0xb8: {  	v3 =	vperm.xlane v3, v2;
	v4 =	vadd.s32 v1, v58;
	_ =	sdelay $0x1  }
0xb9: {  	v3 =	vadd.s32 v1, v3;
	_ =	sdelay $0x2  }
0xba: {  	[tilespmem:s16], [sflag:$0x4] =	stream.indirect_vreg.gather [hbm4b:s3+s2], $0x80, v4, vm0, $0xb8;
	[tilespmem:$0xC080] =	vst v63  }
0xbb: {  	_ = 	snop  }
0xbc: {  	[tilespmem:s17], [sflag:$0x4] =	stream.indirect_vreg.gather [hbm4b:s3+s2], $0x80, v3, vm0, $0xb8;
	[tilespmem:$0xC080] =	vst v63  }
0xbd: {  	v3 =	vld [tilespmem:$0x30];
	_ =	sdelay $0x4  }
0xbe: {  	v59 =	vperm.xlane v3, v0;
	_ =	sdelay $0x1  }
0xbf: {  	v3 =	vperm.xlane v3, v2;
	v4 =	vadd.s32 v1, v59;
	_ =	sdelay $0x1  }
0xc0: {  	v3 =	vadd.s32 v1, v3;
	_ =	sdelay $0x2  }
0xc1: {  	[tilespmem:s18], [sflag:$0x4] =	stream.indirect_vreg.gather [hbm4b:s3+s2], $0x80, v4, vm0, $0xb8;
	[tilespmem:$0xC080] =	vst v63  }
0xc2: {  	_ = 	snop  }
0xc3: {  	[tilespmem:s19], [sflag:$0x4] =	stream.indirect_vreg.gather [hbm4b:s3+s2], $0x80, v3, vm0, $0xb8;
	[tilespmem:$0xC080] =	vst v63  }
0xc4: {  	v3 =	vld [tilespmem:$0x40];
	_ =	sdelay $0x4  }
0xc5: {  	v60 =	vperm.xlane v3, v0;
	_ =	sdelay $0x1  }
0xc6: {  	v3 =	vperm.xlane v3, v2;
	v4 =	vadd.s32 v1, v60;
	_ =	sdelay $0x1  }
0xc7: {  	v3 =	vadd.s32 v1, v3;
	_ =	sdelay $0x2  }
0xc8: {  	[tilespmem:s20], [sflag:$0x4] =	stream.indirect_vreg.gather [hbm4b:s3+s2], $0x80, v4, vm0, $0xb8;
	[tilespmem:$0xC080] =	vst v63  }
0xc9: {  	_ = 	snop  }
0xca: {  	[tilespmem:s21], [sflag:$0x4] =	stream.indirect_vreg.gather [hbm4b:s3+s2], $0x80, v3, vm0, $0xb8;
	[tilespmem:$0xC080] =	vst v63  }
0xcb: {  	v3 =	vld [tilespmem:$0x50];
	_ =	sdelay $0x4  }
0xcc: {  	v61 =	vperm.xlane v3, v0;
	_ =	sdelay $0x1  }
0xcd: {  	v3 =	vperm.xlane v3, v2;
	v4 =	vadd.s32 v1, v61;
	_ =	sdelay $0x1  }
0xce: {  	v3 =	vadd.s32 v1, v3;
	_ =	sdelay $0x2  }
0xcf: {  	[tilespmem:s22], [sflag:$0x4] =	stream.indirect_vreg.gather [hbm4b:s3+s2], $0x80, v4, vm0, $0xb8;
	[tilespmem:$0xC080] =	vst v63  }
0xd0: {  	_ = 	snop  }
0xd1: {  	[tilespmem:s23], [sflag:$0x4] =	stream.indirect_vreg.gather [hbm4b:s3+s2], $0x80, v3, vm0, $0xb8;
	[tilespmem:$0xC080] =	vst v63  }
0xd2: {  	v3 =	vld [tilespmem:$0x60];
	_ =	sdelay $0x4  }
0xd3: {  	v62 =	vperm.xlane v3, v0;
	_ =	sdelay $0x1  }
0xd4: {  	v3 =	vperm.xlane v3, v2;
	v4 =	vadd.s32 v1, v62;
	_ =	sdelay $0x1  }
0xd5: {  	v3 =	vadd.s32 v1, v3;
	_ =	sdelay $0x2  }
0xd6: {  	[tilespmem:s24], [sflag:$0x4] =	stream.indirect_vreg.gather [hbm4b:s3+s2], $0x80, v4, vm0, $0xb8;
	[tilespmem:$0xC080] =	vst v63  }
0xd7: {  	_ = 	snop  }
0xd8: {  	[tilespmem:s25], [sflag:$0x4] =	stream.indirect_vreg.gather [hbm4b:s3+s2], $0x80, v3, vm0, $0xb8;
	[tilespmem:$0xC080] =	vst v63  }
0xd9: {  	v3 =	vld [tilespmem:$0x70];
	_ =	sdelay $0x4  }
0xda: {  	v63 =	vperm.xlane v3, v0;
	_ =	sdelay $0x1  }
0xdb: {  	v3 =	vperm.xlane v3, v2;
	v4 =	vadd.s32 v1, v63;
	_ =	sdelay $0x1  }
0xdc: {  	v3 =	vadd.s32 v1, v3;
	_ =	sdelay $0x2  }
0xdd: {  	[tilespmem:s26], [sflag:$0x4] =	stream.indirect_vreg.gather [hbm4b:s3+s2], $0x80, v4, vm0, $0xb8;
	[tilespmem:$0xC080] =	vst v63  }
0xde: {  	_ = 	snop  }
0xdf: {  	[tilespmem:s28], [sflag:$0x4] =	stream.indirect_vreg.gather [hbm4b:s3+s2], $0x80, v3, vm0, $0xb8;
	[tilespmem:$0xC080] =	vst v63  }
0xe0: {  	_ =	swait.ge [sflag:s29], $0x4000  }
0xe1: {  	[sflag:s29] =	ssyncset.done $0x0  }
0xe2: {  	[sflag:s29] =	ssyncadd.s32 $0xFFFFC000  }
0xe3: {  	_ =	swait.ge [sflag:s30], $0x4000  }
0xe4: {  	[sflag:s30] =	ssyncset.done $0x0  }
0xe5: {  	[sflag:s30] =	ssyncadd.s32 $0xFFFFC000  }
0xe6: {  	_ =	swait.ge [sflag:s31], $0x4000  }
0xe7: {  	p0 =	sne.s32 s5, $0x1;
	[sflag:s31] =	ssyncset.done $0x0  }
.Ltmp0:
0xe8: {  	s9 =	rddreg [dreg:$0x4];
	[sflag:s31] =	ssyncadd.s32 $0xFFFFC000;
	(pc) =	sbr.rel @p0 .LBB2_1-.Ltmp0, $4  }
0xe9: {  	[hbm4b:s9+s2] =	stream.linear.scatter [tilespmem:s6], [sflag:$0x5], $0xC000, $0x38;
	[tilespmem:$0xC080] =	vst v63  }
0xea: {  	_ =	swait.ge [sflag:s1], $0xC000  }
0xeb: {  	[sflag:s1] =	ssyncset.done $0x0  }
0xec: {  	s5 =	sadd.s32 $0xFFFFFFFF, s5;
	[sflag:s1] =	ssyncadd.s32 $0xFFFF4000  }
0xed: {  	_ =	sfence.sel $0x180000  }
0xee: {  	[bflag:$0x0] =	sbarrier.arrive $0xFFFF  }
0xef: {  	_ =	strace $0x90000047  }
0xf0: {  	s0 =	stileid.u32;
	[bflag:$0x2] =	sbarrier.arrive $0xFFFF  }
0xf1: {  	p0 =	sne.s32 s0, $0x0;
	s0 =	rddreg [dreg:$0x2]  }
0xf2: {  	s0 =	sadd.s32 @!p0 $0x100000, s0  }
0xf3: {  	[sflag:s0] =	ssyncadd.tile.s32 @!p0 $0x1;
	_ =	shalt  }
.Lfunc_end2:
_tile_overlayer_lowered:
.L_overlay_start_2:
0xf4: {  	(tag) =	ssettag $0x2  }
0xf5: {  	s0 =	rddreg [dreg:$0x0];
	s2 =	stileid.u32  }
0xf6: {  	s1 =	rddreg [dreg:$0x1];
	p0 =	sne.s32 s2, $0x0  }
0xf7: {  	s3 =	rddreg [dreg:$0x2];
	[bflag:$0x3] =	sbarrier.arrive $0xFFFF;
	s2 =	simm.s32 @!p0 $0x1C05  }
0xf8: {  	[timem:s3], [sflag:s2] =	dma.local @!p0 [hbm:s0], s1  }
0xf9: {  	s0 =	simm.s32 @!p0 $0x5  }
0xfa: {  	_ =	swait.ge @!p0 [sflag:s0], s1  }
0xfb: {  	s1 =	ssub.s32 @!p0 $0x0, s1;
	[sflag:s0] =	ssyncset.done @!p0 $0x0  }
0xfc: {  	[sflag:s0] =	ssyncadd.s32 @!p0 s1  }
0xfd: {  	[bflag:$0x3] =	sbarrier.arrive $0xFFFF  }
0xfe: {  	_ =	shalt  }

</sc_bundles>
